<compile_context>
chip_gen: v7x
topology: tpu7x:2x2x1
jax: 0.10.2.dev20260603
libtpu: 0.0.44.dev20260713+nightly
codegen_flags: <defaults>
</compile_context>

<pallas_src>
import functools

import jax
import jax.numpy as jnp
from jax import lax
from jax.experimental import pallas as pl
from jax.experimental.pallas import tpu as pltpu
from jax.experimental.pallas import tpu_sc as plsc

B = 4096
D = 64
V = 100000
S = 4096
N_IDS = B + S
BROWS = (V + 127) // 128

_NC = 2
_NS = 16
_NW = _NC * _NS
_PER_W = N_IDS // _NW
_CHUNK = 128
_NCHUNK = _PER_W // _CHUNK


_HW = _NW // 2


def _sc_gather_body(idx_hbm, w_hbm, b_hbm, out_tw, out_tb, out_sw, out_sb,
                    idx_v, wrows_v, bval_v, sem):
    wid = lax.axis_index("s") * _NC + lax.axis_index("c")
    pltpu.sync_copy(idx_hbm.at[wid], idx_v)
    copies = []
    for j in range(_NCHUNK):
        copies.append(pltpu.async_copy(w_hbm.at[idx_v.at[j]],
                                       wrows_v.at[j], sem))
        copies.append(pltpu.async_copy(b_hbm.at[idx_v.at[j]],
                                       bval_v.at[j], sem))
    for c in copies:
        c.wait()

    @pl.when(wid < _HW)
    def _true_side():
        base = wid * _PER_W
        for j in range(_NCHUNK):
            pltpu.sync_copy(wrows_v.at[j],
                            out_tw.at[pl.ds(base + j * _CHUNK, _CHUNK)])
            pltpu.sync_copy(bval_v.at[j],
                            out_tb.at[pl.ds(base + j * _CHUNK, _CHUNK)])

    @pl.when(wid >= _HW)
    def _sampled_side():
        base = (wid - _HW) * _PER_W
        for j in range(_NCHUNK):
            pltpu.sync_copy(wrows_v.at[j],
                            out_sw.at[pl.ds(base + j * _CHUNK, _CHUNK)])
            pltpu.sync_copy(bval_v.at[j],
                            out_sb.at[pl.ds(base + j * _CHUNK, _CHUNK)])


@jax.jit
def _sc_gather(idx, weights, biases):
    mesh = plsc.VectorSubcoreMesh(core_axis_name="c", subcore_axis_name="s")
    return pl.kernel(
        _sc_gather_body,
        out_type=(
            jax.ShapeDtypeStruct((B, D), jnp.float32),
            jax.ShapeDtypeStruct((B,), jnp.float32),
            jax.ShapeDtypeStruct((S, D), jnp.float32),
            jax.ShapeDtypeStruct((S,), jnp.float32),
        ),
        mesh=mesh,
        compiler_params=pltpu.CompilerParams(use_tc_tiling_on_sc=False),
        scratch_types=[
            pltpu.VMEM((_NCHUNK, _CHUNK), jnp.int32),
            pltpu.VMEM((_NCHUNK, _CHUNK, D), jnp.float32),
            pltpu.VMEM((_NCHUNK, _CHUNK), jnp.float32),
            pltpu.SemaphoreType.DMA,
        ],
    )(idx, weights, biases)


_TB = 1024
_GRID = B // _TB
_SCALE = 1.0 / (B * (S + 1))
_EPS = 1e-12


def _tc_body(x_ref, xf_ref, twr_ref, tb_ref, tec_ref,
             swr_ref, sb_ref, sec_ref, out_ref, rhs_ref):
    i = pl.program_id(0)

    @pl.when(i == 0)
    def _prep():
        rhs_ref[:, 0:D] = swr_ref[...].astype(jnp.bfloat16)
        bcol = sb_ref[...] - jnp.log(sec_ref[...])
        lane64 = lax.broadcasted_iota(jnp.int32, (S, 64), 1)
        rhs_ref[:, 64:128] = jnp.where(lane64 == 0, bcol,
                                       0.0).astype(jnp.bfloat16)
        txw = jnp.sum(xf_ref[...] * twr_ref[...], axis=1, keepdims=True)
        tl = txw + tb_ref[...] - jnp.log(tec_ref[...])
        pt = jax.nn.sigmoid(tl)
        tsum = jnp.sum(-jnp.log(jnp.clip(pt, _EPS, 1.0)))
        out_ref[0, 0] = tsum * _SCALE

    x = x_ref[...]
    xa = jnp.concatenate(
        [x, jnp.ones((_TB, 64), jnp.float32)],
        axis=1).astype(jnp.bfloat16)
    logits = lax.dot_general(
        xa, rhs_ref[...], (((1,), (1,)), ((), ())),
        preferred_element_type=jnp.float32)
    p = jax.nn.sigmoid(logits)
    part = jnp.sum(-jnp.log(jnp.clip(1.0 - p, _EPS, 1.0)))
    out_ref[0, 0] += part * _SCALE


@functools.partial(jax.jit, static_argnames=("interpret",))
def _tc_loss(inputs, twr, tb, tec, swr, sb, sec, interpret=False):
    out = pl.pallas_call(
        _tc_body,
        grid=(_GRID,),
        in_specs=[
            pl.BlockSpec((_TB, D), lambda i: (i, 0)),
            pl.BlockSpec((B, D), lambda i: (0, 0)),
            pl.BlockSpec((B, D), lambda i: (0, 0)),
            pl.BlockSpec((B, 1), lambda i: (0, 0)),
            pl.BlockSpec((B, 1), lambda i: (0, 0)),
            pl.BlockSpec((S, D), lambda i: (0, 0)),
            pl.BlockSpec((S, 1), lambda i: (0, 0)),
            pl.BlockSpec((S, 1), lambda i: (0, 0)),
        ],
        out_specs=pl.BlockSpec(memory_space=pltpu.SMEM),
        out_shape=jax.ShapeDtypeStruct((1, 1), jnp.float32),
        scratch_shapes=[pltpu.VMEM((S, 128), jnp.bfloat16)],
        interpret=interpret,
    )(inputs, inputs, twr, tb, tec, swr, sb, sec)
    return out[0, 0]


def kernel(inputs, labels, weights, biases, sampled_candidates,
           true_expected_count, sampled_expected_count):
    ids = jnp.concatenate(
        [labels.reshape(-1).astype(jnp.int32),
         sampled_candidates.astype(jnp.int32)], axis=0)
    ids3 = ids.reshape(_NW, _NCHUNK, _CHUNK)
    tw, tb, sw, sb = _sc_gather(ids3, weights, biases)
    return _tc_loss(inputs,
                    tw, tb.reshape(B, 1),
                    true_expected_count,
                    sw, sb.reshape(S, 1),
                    sampled_expected_count.reshape(S, 1))

# --- scband reference (transcript-rebuilt; emitter-appended) ---
"""Pipeline reference for scband-nceloss-54571854463434 (READ-ONLY COPY).

The authoritative reference and input builder live on the scoring server;
editing this copy changes nothing except your own understanding.
"""

import jax, jax.numpy as jnp
import numpy as np


def setup_inputs(seed: int = 0) -> dict:
    key = jax.random.key(seed)
    ks = jax.random.split(key, 7)
    B, D, V, S = 4096, 64, 100000, 4096
    inputs = jax.random.normal(ks[0], (B, D), dtype=jnp.float32)
    labels = jax.random.randint(ks[1], (B, 1), 0, V, dtype=jnp.int64)
    weights = jax.random.normal(ks[2], (V, D), dtype=jnp.float32)
    biases = jax.random.normal(ks[3], (V,), dtype=jnp.float32)
    sampled_candidates = jax.random.randint(ks[4], (S,), 0, V, dtype=jnp.int64)
    true_expected_count = jax.random.uniform(ks[5], (B, 1), minval=0.01, maxval=1.0, dtype=jnp.float32)
    sampled_expected_count = jax.random.uniform(ks[6], (S,), minval=0.01, maxval=1.0, dtype=jnp.float32)
    return {
        "inputs": inputs,
        "labels": labels,
        "weights": weights,
        "biases": biases,
        "sampled_candidates": sampled_candidates,
        "true_expected_count": true_expected_count,
        "sampled_expected_count": sampled_expected_count,
    }


def _nce_forward(inputs, weights, biases, labels, sampled_candidates,
                 true_expected_count, sampled_expected_count):
    flat_labels = labels.reshape(-1)
    num_true = labels.shape[1]
    true_per_batch = flat_labels.shape[0]
    dim = weights.shape[1]
    all_ids = jnp.concatenate([flat_labels, sampled_candidates], axis=0)
    all_w = jnp.take(weights, all_ids, axis=0)
    all_b = jnp.take(biases, all_ids, axis=0)
    true_w = all_w[:true_per_batch, :].reshape(-1, num_true, dim)
    true_b = all_b[:true_per_batch].reshape(-1, num_true)
    sampled_w = all_w[true_per_batch:, :]
    sampled_b = all_b[true_per_batch:]
    row_wise_dots = inputs[:, None, :] * true_w
    dots_as_matrix = row_wise_dots.reshape(-1, dim)
    true_logits = jnp.sum(dots_as_matrix, axis=1).reshape(-1, num_true)
    true_logits = true_logits + true_b
    sampled_logits = inputs @ sampled_w.T
    sampled_logits = sampled_logits + sampled_b[None, :]
    # subtract_log_q = True
    true_logits = true_logits - jnp.log(true_expected_count)
    sampled_logits = sampled_logits - jnp.log(sampled_expected_count)[None, :]
    out_logits = jnp.concatenate([true_logits, sampled_logits], axis=1)
    true_labels = jnp.ones_like(true_logits) / num_true
    sampled_labels = jnp.zeros_like(sampled_logits)
    out_labels = jnp.concatenate([true_labels, sampled_labels], axis=1)
    p = jax.nn.sigmoid(out_logits)
    eps = 1e-12
    bce = -(out_labels * jnp.log(jnp.clip(p, eps, 1.0)) +
            (1.0 - out_labels) * jnp.log(jnp.clip(1.0 - p, eps, 1.0)))
    return jnp.mean(bce)


def reference(inputs, labels, weights, biases, sampled_candidates,
              true_expected_count, sampled_expected_count):
    return _nce_forward(inputs, weights, biases, labels, sampled_candidates,
                        true_expected_count, sampled_expected_count)

if __name__ == "__main__":
    import jax
    _d = setup_inputs()
    print(jax.jit(kernel)(*tuple(_d.values())))

</pallas_src>

<mosaic_0001>
#map = affine_map<(d0, d1) -> (0, 0, 0)>
#map1 = affine_map<(d0, d1) -> (0, 0)>
#map2 = affine_map<(d0, d1) -> (0)>
module attributes {stable_mosaic.version = 14 : i64} {
  func.func @_sc_gather_body(%arg0: i32, %arg1: i32, %arg2: memref<32x2x128xi32, #tpu.memory_space<hbm>>, %arg3: memref<100000x64xf32, #tpu.memory_space<hbm>>, %arg4: memref<100000xf32, #tpu.memory_space<hbm>>, %arg5: memref<4096x64xf32, #tpu.memory_space<hbm>>, %arg6: memref<4096xf32, #tpu.memory_space<hbm>>, %arg7: memref<4096x64xf32, #tpu.memory_space<hbm>>, %arg8: memref<4096xf32, #tpu.memory_space<hbm>>, %arg9: memref<2x128xi32, #tpu.memory_space<vmem>>, %arg10: memref<2x128x64xf32, #tpu.memory_space<vmem>>, %arg11: memref<2x128xf32, #tpu.memory_space<vmem>>, %arg12: memref<!tpu.dma_semaphore, #tpu.memory_space<semaphore_mem>>) attributes {dimension_semantics = [#tpu.dimension_semantics<core_parallel>, #tpu.dimension_semantics<subcore_parallel>], iteration_bounds = array<i64: 2, 16>, scalar_prefetch = 0 : i64, scratch_operands = 4 : i64, tpu.core_type = #tpu.core_type<sc_vector_subcore>, window_params = [{transform_indices = #map}, {transform_indices = #map1}, {transform_indices = #map2}, {transform_indices = #map1}, {transform_indices = #map2}, {transform_indices = #map1}, {transform_indices = #map2}]} {
    %mul3A = arith.constant 2 : i32
    %mul3A_0 = arith.muli %arg1, %mul3A : i32
    %add3A = arith.addi %mul3A_0, %arg0 : i32
    "tpu.region"() ({
      %run_scoped3A = tpu.sem_alloc : memref<!tpu.dma_semaphore, #tpu.memory_space<semaphore_mem>>
      %dma_start3A_93 = arith.constant 0 : i32
      %dma_start3A_94 = arith.constant 0 : i32
      %dma_start3A_95 = tpu.memref_slice %arg2[%add3A, %dma_start3A_93, %dma_start3A_94] : memref<32x2x128xi32, #tpu.memory_space<hbm>> -> memref<1x2x128xi32, #tpu.memory_space<hbm>>
      %dma_start3A_96 = tpu.memref_squeeze %dma_start3A_95 : memref<1x2x128xi32, #tpu.memory_space<hbm>> -> memref<2x128xi32, #tpu.memory_space<hbm>>
      %dma_start3A_97 = arith.constant 0 : i32
      %dma_start3A_98 = arith.constant 0 : i32
      %dma_start3A_99 = tpu.memref_slice %arg2[%add3A, %dma_start3A_97, %dma_start3A_98] : memref<32x2x128xi32, #tpu.memory_space<hbm>> -> memref<1x2x128xi32, #tpu.memory_space<hbm>>
      %dma_start3A_100 = tpu.memref_squeeze %dma_start3A_99 : memref<1x2x128xi32, #tpu.memory_space<hbm>> -> memref<2x128xi32, #tpu.memory_space<hbm>>
      tpu.enqueue_dma source(%dma_start3A_100 : memref<2x128xi32, #tpu.memory_space<hbm>>) target(%arg9 : memref<2x128xi32, #tpu.memory_space<vmem>>) target_semaphore(%run_scoped3A : memref<!tpu.dma_semaphore, #tpu.memory_space<semaphore_mem>>)
      %dma_wait3A_101 = arith.constant 0 : i32
      %dma_wait3A_102 = arith.constant 0 : i32
      %dma_wait3A_103 = tpu.memref_slice %arg2[%add3A, %dma_wait3A_101, %dma_wait3A_102] : memref<32x2x128xi32, #tpu.memory_space<hbm>> -> memref<1x2x128xi32, #tpu.memory_space<hbm>>
      %dma_wait3A_104 = tpu.memref_squeeze %dma_wait3A_103 : memref<1x2x128xi32, #tpu.memory_space<hbm>> -> memref<2x128xi32, #tpu.memory_space<hbm>>
      %dma_wait3A_105 = arith.constant 0 : i32
      %dma_wait3A_106 = arith.constant 0 : i32
      %dma_wait3A_107 = tpu.memref_slice %arg2[%add3A, %dma_wait3A_105, %dma_wait3A_106] : memref<32x2x128xi32, #tpu.memory_space<hbm>> -> memref<1x2x128xi32, #tpu.memory_space<hbm>>
      %dma_wait3A_108 = tpu.memref_squeeze %dma_wait3A_107 : memref<1x2x128xi32, #tpu.memory_space<hbm>> -> memref<2x128xi32, #tpu.memory_space<hbm>>
      tpu.wait_dma2 semaphore(%run_scoped3A : memref<!tpu.dma_semaphore, #tpu.memory_space<semaphore_mem>>) src(%dma_wait3A_108 : memref<2x128xi32, #tpu.memory_space<hbm>>) dst(%arg9 : memref<2x128xi32, #tpu.memory_space<vmem>>)
      tpu.yield
    }) : () -> ()
    %dma_start3A = arith.constant 0 : i32
    %dma_start3A_1 = arith.constant 0 : i32
    %dma_start3A_2 = arith.constant 0 : i32
    %dma_start3A_3 = arith.constant 0 : i32
    %dma_start3A_4 = tpu.memref_slice %arg10[%dma_start3A_1, %dma_start3A_2, %dma_start3A_3] : memref<2x128x64xf32, #tpu.memory_space<vmem>> -> memref<1x128x64xf32, #tpu.memory_space<vmem>>
    %dma_start3A_5 = tpu.memref_squeeze %dma_start3A_4 : memref<1x128x64xf32, #tpu.memory_space<vmem>> -> memref<128x64xf32, #tpu.memory_space<vmem>>
    %dma_start3A_6 = arith.constant 0 : i32
    %dma_start3A_7 = tpu.memref_slice %arg9[%dma_start3A, %dma_start3A_6] : memref<2x128xi32, #tpu.memory_space<vmem>> -> memref<1x128xi32, #tpu.memory_space<vmem>>
    %dma_start3A_8 = tpu.memref_squeeze %dma_start3A_7 : memref<1x128xi32, #tpu.memory_space<vmem>> -> memref<128xi32, #tpu.memory_space<vmem>>
    %dma_start3A_9 = arith.constant 0 : i32
    %dma_start3A_10 = arith.constant 0 : i32
    %dma_start3A_11 = tpu.memref_slice %arg3[%dma_start3A_9, %dma_start3A_10] : memref<100000x64xf32, #tpu.memory_space<hbm>> -> memref<100000x64xf32, #tpu.memory_space<hbm>>
    tpu.enqueue_indirect_dma source(%dma_start3A_11 : memref<100000x64xf32, #tpu.memory_space<hbm>>) target(%dma_start3A_5 : memref<128x64xf32, #tpu.memory_space<vmem>>) offsets(%dma_start3A_8 : memref<128xi32, #tpu.memory_space<vmem>>) semaphore(%arg12 : memref<!tpu.dma_semaphore, #tpu.memory_space<semaphore_mem>>)
    %dma_start3A_12 = arith.constant 0 : i32
    %dma_start3A_13 = arith.constant 0 : i32
    %dma_start3A_14 = arith.constant 0 : i32
    %dma_start3A_15 = tpu.memref_slice %arg11[%dma_start3A_13, %dma_start3A_14] : memref<2x128xf32, #tpu.memory_space<vmem>> -> memref<1x128xf32, #tpu.memory_space<vmem>>
    %dma_start3A_16 = tpu.memref_squeeze %dma_start3A_15 : memref<1x128xf32, #tpu.memory_space<vmem>> -> memref<128xf32, #tpu.memory_space<vmem>>
    %dma_start3A_17 = arith.constant 0 : i32
    %dma_start3A_18 = tpu.memref_slice %arg9[%dma_start3A_12, %dma_start3A_17] : memref<2x128xi32, #tpu.memory_space<vmem>> -> memref<1x128xi32, #tpu.memory_space<vmem>>
    %dma_start3A_19 = tpu.memref_squeeze %dma_start3A_18 : memref<1x128xi32, #tpu.memory_space<vmem>> -> memref<128xi32, #tpu.memory_space<vmem>>
    %dma_start3A_20 = arith.constant 0 : i32
    %dma_start3A_21 = tpu.memref_slice %arg4[%dma_start3A_20] : memref<100000xf32, #tpu.memory_space<hbm>> -> memref<100000xf32, #tpu.memory_space<hbm>>
    tpu.enqueue_indirect_dma source(%dma_start3A_21 : memref<100000xf32, #tpu.memory_space<hbm>>) target(%dma_start3A_16 : memref<128xf32, #tpu.memory_space<vmem>>) offsets(%dma_start3A_19 : memref<128xi32, #tpu.memory_space<vmem>>) semaphore(%arg12 : memref<!tpu.dma_semaphore, #tpu.memory_space<semaphore_mem>>)
    %dma_start3A_22 = arith.constant 1 : i32
    %dma_start3A_23 = arith.constant 1 : i32
    %dma_start3A_24 = arith.constant 0 : i32
    %dma_start3A_25 = arith.constant 0 : i32
    %dma_start3A_26 = tpu.memref_slice %arg10[%dma_start3A_23, %dma_start3A_24, %dma_start3A_25] : memref<2x128x64xf32, #tpu.memory_space<vmem>> -> memref<1x128x64xf32, #tpu.memory_space<vmem>>
    %dma_start3A_27 = tpu.memref_squeeze %dma_start3A_26 : memref<1x128x64xf32, #tpu.memory_space<vmem>> -> memref<128x64xf32, #tpu.memory_space<vmem>>
    %dma_start3A_28 = arith.constant 0 : i32
    %dma_start3A_29 = tpu.memref_slice %arg9[%dma_start3A_22, %dma_start3A_28] : memref<2x128xi32, #tpu.memory_space<vmem>> -> memref<1x128xi32, #tpu.memory_space<vmem>>
    %dma_start3A_30 = tpu.memref_squeeze %dma_start3A_29 : memref<1x128xi32, #tpu.memory_space<vmem>> -> memref<128xi32, #tpu.memory_space<vmem>>
    %dma_start3A_31 = arith.constant 0 : i32
    %dma_start3A_32 = arith.constant 0 : i32
    %dma_start3A_33 = tpu.memref_slice %arg3[%dma_start3A_31, %dma_start3A_32] : memref<100000x64xf32, #tpu.memory_space<hbm>> -> memref<100000x64xf32, #tpu.memory_space<hbm>>
    tpu.enqueue_indirect_dma source(%dma_start3A_33 : memref<100000x64xf32, #tpu.memory_space<hbm>>) target(%dma_start3A_27 : memref<128x64xf32, #tpu.memory_space<vmem>>) offsets(%dma_start3A_30 : memref<128xi32, #tpu.memory_space<vmem>>) semaphore(%arg12 : memref<!tpu.dma_semaphore, #tpu.memory_space<semaphore_mem>>)
    %dma_start3A_34 = arith.constant 1 : i32
    %dma_start3A_35 = arith.constant 1 : i32
    %dma_start3A_36 = arith.constant 0 : i32
    %dma_start3A_37 = tpu.memref_slice %arg11[%dma_start3A_35, %dma_start3A_36] : memref<2x128xf32, #tpu.memory_space<vmem>> -> memref<1x128xf32, #tpu.memory_space<vmem>>
    %dma_start3A_38 = tpu.memref_squeeze %dma_start3A_37 : memref<1x128xf32, #tpu.memory_space<vmem>> -> memref<128xf32, #tpu.memory_space<vmem>>
    %dma_start3A_39 = arith.constant 0 : i32
    %dma_start3A_40 = tpu.memref_slice %arg9[%dma_start3A_34, %dma_start3A_39] : memref<2x128xi32, #tpu.memory_space<vmem>> -> memref<1x128xi32, #tpu.memory_space<vmem>>
    %dma_start3A_41 = tpu.memref_squeeze %dma_start3A_40 : memref<1x128xi32, #tpu.memory_space<vmem>> -> memref<128xi32, #tpu.memory_space<vmem>>
    %dma_start3A_42 = arith.constant 0 : i32
    %dma_start3A_43 = tpu.memref_slice %arg4[%dma_start3A_42] : memref<100000xf32, #tpu.memory_space<hbm>> -> memref<100000xf32, #tpu.memory_space<hbm>>
    tpu.enqueue_indirect_dma source(%dma_start3A_43 : memref<100000xf32, #tpu.memory_space<hbm>>) target(%dma_start3A_38 : memref<128xf32, #tpu.memory_space<vmem>>) offsets(%dma_start3A_41 : memref<128xi32, #tpu.memory_space<vmem>>) semaphore(%arg12 : memref<!tpu.dma_semaphore, #tpu.memory_space<semaphore_mem>>)
    %dma_wait3A = arith.constant 0 : i32
    %dma_wait3A_44 = arith.constant 0 : i32
    %dma_wait3A_45 = arith.constant 0 : i32
    %dma_wait3A_46 = arith.constant 0 : i32
    %dma_wait3A_47 = tpu.memref_slice %arg10[%dma_wait3A_44, %dma_wait3A_45, %dma_wait3A_46] : memref<2x128x64xf32, #tpu.memory_space<vmem>> -> memref<1x128x64xf32, #tpu.memory_space<vmem>>
    %dma_wait3A_48 = tpu.memref_squeeze %dma_wait3A_47 : memref<1x128x64xf32, #tpu.memory_space<vmem>> -> memref<128x64xf32, #tpu.memory_space<vmem>>
    %dma_wait3A_49 = arith.constant 0 : i32
    %dma_wait3A_50 = tpu.memref_slice %arg9[%dma_wait3A, %dma_wait3A_49] : memref<2x128xi32, #tpu.memory_space<vmem>> -> memref<1x128xi32, #tpu.memory_space<vmem>>
    %dma_wait3A_51 = tpu.memref_squeeze %dma_wait3A_50 : memref<1x128xi32, #tpu.memory_space<vmem>> -> memref<128xi32, #tpu.memory_space<vmem>>
    %dma_wait3A_52 = arith.constant 0 : i32
    %dma_wait3A_53 = arith.constant 0 : i32
    %dma_wait3A_54 = tpu.memref_slice %arg3[%dma_wait3A_52, %dma_wait3A_53] : memref<100000x64xf32, #tpu.memory_space<hbm>> -> memref<100000x64xf32, #tpu.memory_space<hbm>>
    tpu.wait_indirect_dma semaphore(%arg12 : memref<!tpu.dma_semaphore, #tpu.memory_space<semaphore_mem>>) src(%dma_wait3A_54 : memref<100000x64xf32, #tpu.memory_space<hbm>>) dst(%dma_wait3A_48 : memref<128x64xf32, #tpu.memory_space<vmem>>)
    %dma_wait3A_55 = arith.constant 0 : i32
    %dma_wait3A_56 = arith.constant 0 : i32
    %dma_wait3A_57 = arith.constant 0 : i32
    %dma_wait3A_58 = tpu.memref_slice %arg11[%dma_wait3A_56, %dma_wait3A_57] : memref<2x128xf32, #tpu.memory_space<vmem>> -> memref<1x128xf32, #tpu.memory_space<vmem>>
    %dma_wait3A_59 = tpu.memref_squeeze %dma_wait3A_58 : memref<1x128xf32, #tpu.memory_space<vmem>> -> memref<128xf32, #tpu.memory_space<vmem>>
    %dma_wait3A_60 = arith.constant 0 : i32
    %dma_wait3A_61 = tpu.memref_slice %arg9[%dma_wait3A_55, %dma_wait3A_60] : memref<2x128xi32, #tpu.memory_space<vmem>> -> memref<1x128xi32, #tpu.memory_space<vmem>>
    %dma_wait3A_62 = tpu.memref_squeeze %dma_wait3A_61 : memref<1x128xi32, #tpu.memory_space<vmem>> -> memref<128xi32, #tpu.memory_space<vmem>>
    %dma_wait3A_63 = arith.constant 0 : i32
    %dma_wait3A_64 = tpu.memref_slice %arg4[%dma_wait3A_63] : memref<100000xf32, #tpu.memory_space<hbm>> -> memref<100000xf32, #tpu.memory_space<hbm>>
    tpu.wait_indirect_dma semaphore(%arg12 : memref<!tpu.dma_semaphore, #tpu.memory_space<semaphore_mem>>) src(%dma_wait3A_64 : memref<100000xf32, #tpu.memory_space<hbm>>) dst(%dma_wait3A_59 : memref<128xf32, #tpu.memory_space<vmem>>)
    %dma_wait3A_65 = arith.constant 1 : i32
    %dma_wait3A_66 = arith.constant 1 : i32
    %dma_wait3A_67 = arith.constant 0 : i32
    %dma_wait3A_68 = arith.constant 0 : i32
    %dma_wait3A_69 = tpu.memref_slice %arg10[%dma_wait3A_66, %dma_wait3A_67, %dma_wait3A_68] : memref<2x128x64xf32, #tpu.memory_space<vmem>> -> memref<1x128x64xf32, #tpu.memory_space<vmem>>
    %dma_wait3A_70 = tpu.memref_squeeze %dma_wait3A_69 : memref<1x128x64xf32, #tpu.memory_space<vmem>> -> memref<128x64xf32, #tpu.memory_space<vmem>>
    %dma_wait3A_71 = arith.constant 0 : i32
    %dma_wait3A_72 = tpu.memref_slice %arg9[%dma_wait3A_65, %dma_wait3A_71] : memref<2x128xi32, #tpu.memory_space<vmem>> -> memref<1x128xi32, #tpu.memory_space<vmem>>
    %dma_wait3A_73 = tpu.memref_squeeze %dma_wait3A_72 : memref<1x128xi32, #tpu.memory_space<vmem>> -> memref<128xi32, #tpu.memory_space<vmem>>
    %dma_wait3A_74 = arith.constant 0 : i32
    %dma_wait3A_75 = arith.constant 0 : i32
    %dma_wait3A_76 = tpu.memref_slice %arg3[%dma_wait3A_74, %dma_wait3A_75] : memref<100000x64xf32, #tpu.memory_space<hbm>> -> memref<100000x64xf32, #tpu.memory_space<hbm>>
    tpu.wait_indirect_dma semaphore(%arg12 : memref<!tpu.dma_semaphore, #tpu.memory_space<semaphore_mem>>) src(%dma_wait3A_76 : memref<100000x64xf32, #tpu.memory_space<hbm>>) dst(%dma_wait3A_70 : memref<128x64xf32, #tpu.memory_space<vmem>>)
    %dma_wait3A_77 = arith.constant 1 : i32
    %dma_wait3A_78 = arith.constant 1 : i32
    %dma_wait3A_79 = arith.constant 0 : i32
    %dma_wait3A_80 = tpu.memref_slice %arg11[%dma_wait3A_78, %dma_wait3A_79] : memref<2x128xf32, #tpu.memory_space<vmem>> -> memref<1x128xf32, #tpu.memory_space<vmem>>
    %dma_wait3A_81 = tpu.memref_squeeze %dma_wait3A_80 : memref<1x128xf32, #tpu.memory_space<vmem>> -> memref<128xf32, #tpu.memory_space<vmem>>
    %dma_wait3A_82 = arith.constant 0 : i32
    %dma_wait3A_83 = tpu.memref_slice %arg9[%dma_wait3A_77, %dma_wait3A_82] : memref<2x128xi32, #tpu.memory_space<vmem>> -> memref<1x128xi32, #tpu.memory_space<vmem>>
    %dma_wait3A_84 = tpu.memref_squeeze %dma_wait3A_83 : memref<1x128xi32, #tpu.memory_space<vmem>> -> memref<128xi32, #tpu.memory_space<vmem>>
    %dma_wait3A_85 = arith.constant 0 : i32
    %dma_wait3A_86 = tpu.memref_slice %arg4[%dma_wait3A_85] : memref<100000xf32, #tpu.memory_space<hbm>> -> memref<100000xf32, #tpu.memory_space<hbm>>
    tpu.wait_indirect_dma semaphore(%arg12 : memref<!tpu.dma_semaphore, #tpu.memory_space<semaphore_mem>>) src(%dma_wait3A_86 : memref<100000xf32, #tpu.memory_space<hbm>>) dst(%dma_wait3A_81 : memref<128xf32, #tpu.memory_space<vmem>>)
    %lt3A = arith.constant 16 : i32
    %lt3A_87 = arith.cmpi slt, %add3A, %lt3A : i32
    %convert_element_type3A = arith.extui %lt3A_87 : i1 to i32
    %cond3A = arith.constant 0 : i32
    %cond3A_88 = arith.cmpi ne, %convert_element_type3A, %cond3A : i32
    scf.if %cond3A_88 {
      %mul3A_93 = arith.constant 256 : i32
      %mul3A_94 = arith.muli %add3A, %mul3A_93 : i32
      %add3A_95 = arith.constant 0 : i32
      %add3A_96 = arith.addi %mul3A_94, %add3A_95 : i32
      %run_scoped3A = arith.constant 0 : i32
      "tpu.region"() ({
        %run_scoped3A_106 = tpu.sem_alloc : memref<!tpu.dma_semaphore, #tpu.memory_space<semaphore_mem>>
        %dma_start3A_107 = arith.constant 0 : i32
        %dma_start3A_108 = arith.constant 0 : i32
        %dma_start3A_109 = tpu.memref_slice %arg10[%run_scoped3A, %dma_start3A_107, %dma_start3A_108] : memref<2x128x64xf32, #tpu.memory_space<vmem>> -> memref<1x128x64xf32, #tpu.memory_space<vmem>>
        %dma_start3A_110 = tpu.memref_squeeze %dma_start3A_109 : memref<1x128x64xf32, #tpu.memory_space<vmem>> -> memref<128x64xf32, #tpu.memory_space<vmem>>
        %dma_start3A_111 = arith.constant 0 : i32
        %dma_start3A_112 = tpu.memref_slice %arg5[%add3A_96, %dma_start3A_111] : memref<4096x64xf32, #tpu.memory_space<hbm>> -> memref<128x64xf32, #tpu.memory_space<hbm>>
        %dma_start3A_113 = arith.constant 0 : i32
        %dma_start3A_114 = tpu.memref_slice %arg5[%add3A_96, %dma_start3A_113] : memref<4096x64xf32, #tpu.memory_space<hbm>> -> memref<128x64xf32, #tpu.memory_space<hbm>>
        %dma_start3A_115 = arith.constant 0 : i32
        %dma_start3A_116 = arith.constant 0 : i32
        %dma_start3A_117 = tpu.memref_slice %arg10[%run_scoped3A, %dma_start3A_115, %dma_start3A_116] : memref<2x128x64xf32, #tpu.memory_space<vmem>> -> memref<1x128x64xf32, #tpu.memory_space<vmem>>
        %dma_start3A_118 = tpu.memref_squeeze %dma_start3A_117 : memref<1x128x64xf32, #tpu.memory_space<vmem>> -> memref<128x64xf32, #tpu.memory_space<vmem>>
        tpu.enqueue_dma source(%dma_start3A_118 : memref<128x64xf32, #tpu.memory_space<vmem>>) target(%dma_start3A_114 : memref<128x64xf32, #tpu.memory_space<hbm>>) target_semaphore(%run_scoped3A_106 : memref<!tpu.dma_semaphore, #tpu.memory_space<semaphore_mem>>)
        %dma_wait3A_119 = arith.constant 0 : i32
        %dma_wait3A_120 = arith.constant 0 : i32
        %dma_wait3A_121 = tpu.memref_slice %arg10[%run_scoped3A, %dma_wait3A_119, %dma_wait3A_120] : memref<2x128x64xf32, #tpu.memory_space<vmem>> -> memref<1x128x64xf32, #tpu.memory_space<vmem>>
        %dma_wait3A_122 = tpu.memref_squeeze %dma_wait3A_121 : memref<1x128x64xf32, #tpu.memory_space<vmem>> -> memref<128x64xf32, #tpu.memory_space<vmem>>
        %dma_wait3A_123 = arith.constant 0 : i32
        %dma_wait3A_124 = tpu.memref_slice %arg5[%add3A_96, %dma_wait3A_123] : memref<4096x64xf32, #tpu.memory_space<hbm>> -> memref<128x64xf32, #tpu.memory_space<hbm>>
        %dma_wait3A_125 = arith.constant 0 : i32
        %dma_wait3A_126 = tpu.memref_slice %arg5[%add3A_96, %dma_wait3A_125] : memref<4096x64xf32, #tpu.memory_space<hbm>> -> memref<128x64xf32, #tpu.memory_space<hbm>>
        %dma_wait3A_127 = arith.constant 0 : i32
        %dma_wait3A_128 = arith.constant 0 : i32
        %dma_wait3A_129 = tpu.memref_slice %arg10[%run_scoped3A, %dma_wait3A_127, %dma_wait3A_128] : memref<2x128x64xf32, #tpu.memory_space<vmem>> -> memref<1x128x64xf32, #tpu.memory_space<vmem>>
        %dma_wait3A_130 = tpu.memref_squeeze %dma_wait3A_129 : memref<1x128x64xf32, #tpu.memory_space<vmem>> -> memref<128x64xf32, #tpu.memory_space<vmem>>
        tpu.wait_dma2 semaphore(%run_scoped3A_106 : memref<!tpu.dma_semaphore, #tpu.memory_space<semaphore_mem>>) src(%dma_wait3A_130 : memref<128x64xf32, #tpu.memory_space<vmem>>) dst(%dma_wait3A_126 : memref<128x64xf32, #tpu.memory_space<hbm>>)
        tpu.yield
      }) : () -> ()
      %add3A_97 = arith.constant 0 : i32
      %add3A_98 = arith.addi %mul3A_94, %add3A_97 : i32
      %run_scoped3A_99 = arith.constant 0 : i32
      "tpu.region"() ({
        %run_scoped3A_106 = tpu.sem_alloc : memref<!tpu.dma_semaphore, #tpu.memory_space<semaphore_mem>>
        %dma_start3A_107 = arith.constant 0 : i32
        %dma_start3A_108 = tpu.memref_slice %arg11[%run_scoped3A_99, %dma_start3A_107] : memref<2x128xf32, #tpu.memory_space<vmem>> -> memref<1x128xf32, #tpu.memory_space<vmem>>
        %dma_start3A_109 = tpu.memref_squeeze %dma_start3A_108 : memref<1x128xf32, #tpu.memory_space<vmem>> -> memref<128xf32, #tpu.memory_space<vmem>>
        %dma_start3A_110 = tpu.memref_slice %arg6[%add3A_98] : memref<4096xf32, #tpu.memory_space<hbm>> -> memref<128xf32, #tpu.memory_space<hbm>>
        %dma_start3A_111 = tpu.memref_slice %arg6[%add3A_98] : memref<4096xf32, #tpu.memory_space<hbm>> -> memref<128xf32, #tpu.memory_space<hbm>>
        %dma_start3A_112 = arith.constant 0 : i32
        %dma_start3A_113 = tpu.memref_slice %arg11[%run_scoped3A_99, %dma_start3A_112] : memref<2x128xf32, #tpu.memory_space<vmem>> -> memref<1x128xf32, #tpu.memory_space<vmem>>
        %dma_start3A_114 = tpu.memref_squeeze %dma_start3A_113 : memref<1x128xf32, #tpu.memory_space<vmem>> -> memref<128xf32, #tpu.memory_space<vmem>>
        tpu.enqueue_dma source(%dma_start3A_114 : memref<128xf32, #tpu.memory_space<vmem>>) target(%dma_start3A_111 : memref<128xf32, #tpu.memory_space<hbm>>) target_semaphore(%run_scoped3A_106 : memref<!tpu.dma_semaphore, #tpu.memory_space<semaphore_mem>>)
        %dma_wait3A_115 = arith.constant 0 : i32
        %dma_wait3A_116 = tpu.memref_slice %arg11[%run_scoped3A_99, %dma_wait3A_115] : memref<2x128xf32, #tpu.memory_space<vmem>> -> memref<1x128xf32, #tpu.memory_space<vmem>>
        %dma_wait3A_117 = tpu.memref_squeeze %dma_wait3A_116 : memref<1x128xf32, #tpu.memory_space<vmem>> -> memref<128xf32, #tpu.memory_space<vmem>>
        %dma_wait3A_118 = tpu.memref_slice %arg6[%add3A_98] : memref<4096xf32, #tpu.memory_space<hbm>> -> memref<128xf32, #tpu.memory_space<hbm>>
        %dma_wait3A_119 = tpu.memref_slice %arg6[%add3A_98] : memref<4096xf32, #tpu.memory_space<hbm>> -> memref<128xf32, #tpu.memory_space<hbm>>
        %dma_wait3A_120 = arith.constant 0 : i32
        %dma_wait3A_121 = tpu.memref_slice %arg11[%run_scoped3A_99, %dma_wait3A_120] : memref<2x128xf32, #tpu.memory_space<vmem>> -> memref<1x128xf32, #tpu.memory_space<vmem>>
        %dma_wait3A_122 = tpu.memref_squeeze %dma_wait3A_121 : memref<1x128xf32, #tpu.memory_space<vmem>> -> memref<128xf32, #tpu.memory_space<vmem>>
        tpu.wait_dma2 semaphore(%run_scoped3A_106 : memref<!tpu.dma_semaphore, #tpu.memory_space<semaphore_mem>>) src(%dma_wait3A_122 : memref<128xf32, #tpu.memory_space<vmem>>) dst(%dma_wait3A_119 : memref<128xf32, #tpu.memory_space<hbm>>)
        tpu.yield
      }) : () -> ()
      %add3A_100 = arith.constant 128 : i32
      %add3A_101 = arith.addi %mul3A_94, %add3A_100 : i32
      %run_scoped3A_102 = arith.constant 1 : i32
      "tpu.region"() ({
        %run_scoped3A_106 = tpu.sem_alloc : memref<!tpu.dma_semaphore, #tpu.memory_space<semaphore_mem>>
        %dma_start3A_107 = arith.constant 0 : i32
        %dma_start3A_108 = arith.constant 0 : i32
        %dma_start3A_109 = tpu.memref_slice %arg10[%run_scoped3A_102, %dma_start3A_107, %dma_start3A_108] : memref<2x128x64xf32, #tpu.memory_space<vmem>> -> memref<1x128x64xf32, #tpu.memory_space<vmem>>
        %dma_start3A_110 = tpu.memref_squeeze %dma_start3A_109 : memref<1x128x64xf32, #tpu.memory_space<vmem>> -> memref<128x64xf32, #tpu.memory_space<vmem>>
        %dma_start3A_111 = arith.constant 0 : i32
        %dma_start3A_112 = tpu.memref_slice %arg5[%add3A_101, %dma_start3A_111] : memref<4096x64xf32, #tpu.memory_space<hbm>> -> memref<128x64xf32, #tpu.memory_space<hbm>>
        %dma_start3A_113 = arith.constant 0 : i32
        %dma_start3A_114 = tpu.memref_slice %arg5[%add3A_101, %dma_start3A_113] : memref<4096x64xf32, #tpu.memory_space<hbm>> -> memref<128x64xf32, #tpu.memory_space<hbm>>
        %dma_start3A_115 = arith.constant 0 : i32
        %dma_start3A_116 = arith.constant 0 : i32
        %dma_start3A_117 = tpu.memref_slice %arg10[%run_scoped3A_102, %dma_start3A_115, %dma_start3A_116] : memref<2x128x64xf32, #tpu.memory_space<vmem>> -> memref<1x128x64xf32, #tpu.memory_space<vmem>>
        %dma_start3A_118 = tpu.memref_squeeze %dma_start3A_117 : memref<1x128x64xf32, #tpu.memory_space<vmem>> -> memref<128x64xf32, #tpu.memory_space<vmem>>
        tpu.enqueue_dma source(%dma_start3A_118 : memref<128x64xf32, #tpu.memory_space<vmem>>) target(%dma_start3A_114 : memref<128x64xf32, #tpu.memory_space<hbm>>) target_semaphore(%run_scoped3A_106 : memref<!tpu.dma_semaphore, #tpu.memory_space<semaphore_mem>>)
        %dma_wait3A_119 = arith.constant 0 : i32
        %dma_wait3A_120 = arith.constant 0 : i32
        %dma_wait3A_121 = tpu.memref_slice %arg10[%run_scoped3A_102, %dma_wait3A_119, %dma_wait3A_120] : memref<2x128x64xf32, #tpu.memory_space<vmem>> -> memref<1x128x64xf32, #tpu.memory_space<vmem>>
        %dma_wait3A_122 = tpu.memref_squeeze %dma_wait3A_121 : memref<1x128x64xf32, #tpu.memory_space<vmem>> -> memref<128x64xf32, #tpu.memory_space<vmem>>
        %dma_wait3A_123 = arith.constant 0 : i32
        %dma_wait3A_124 = tpu.memref_slice %arg5[%add3A_101, %dma_wait3A_123] : memref<4096x64xf32, #tpu.memory_space<hbm>> -> memref<128x64xf32, #tpu.memory_space<hbm>>
        %dma_wait3A_125 = arith.constant 0 : i32
        %dma_wait3A_126 = tpu.memref_slice %arg5[%add3A_101, %dma_wait3A_125] : memref<4096x64xf32, #tpu.memory_space<hbm>> -> memref<128x64xf32, #tpu.memory_space<hbm>>
        %dma_wait3A_127 = arith.constant 0 : i32
        %dma_wait3A_128 = arith.constant 0 : i32
        %dma_wait3A_129 = tpu.memref_slice %arg10[%run_scoped3A_102, %dma_wait3A_127, %dma_wait3A_128] : memref<2x128x64xf32, #tpu.memory_space<vmem>> -> memref<1x128x64xf32, #tpu.memory_space<vmem>>
        %dma_wait3A_130 = tpu.memref_squeeze %dma_wait3A_129 : memref<1x128x64xf32, #tpu.memory_space<vmem>> -> memref<128x64xf32, #tpu.memory_space<vmem>>
        tpu.wait_dma2 semaphore(%run_scoped3A_106 : memref<!tpu.dma_semaphore, #tpu.memory_space<semaphore_mem>>) src(%dma_wait3A_130 : memref<128x64xf32, #tpu.memory_space<vmem>>) dst(%dma_wait3A_126 : memref<128x64xf32, #tpu.memory_space<hbm>>)
        tpu.yield
      }) : () -> ()
      %add3A_103 = arith.constant 128 : i32
      %add3A_104 = arith.addi %mul3A_94, %add3A_103 : i32
      %run_scoped3A_105 = arith.constant 1 : i32
      "tpu.region"() ({
        %run_scoped3A_106 = tpu.sem_alloc : memref<!tpu.dma_semaphore, #tpu.memory_space<semaphore_mem>>
        %dma_start3A_107 = arith.constant 0 : i32
        %dma_start3A_108 = tpu.memref_slice %arg11[%run_scoped3A_105, %dma_start3A_107] : memref<2x128xf32, #tpu.memory_space<vmem>> -> memref<1x128xf32, #tpu.memory_space<vmem>>
        %dma_start3A_109 = tpu.memref_squeeze %dma_start3A_108 : memref<1x128xf32, #tpu.memory_space<vmem>> -> memref<128xf32, #tpu.memory_space<vmem>>
        %dma_start3A_110 = tpu.memref_slice %arg6[%add3A_104] : memref<4096xf32, #tpu.memory_space<hbm>> -> memref<128xf32, #tpu.memory_space<hbm>>
        %dma_start3A_111 = tpu.memref_slice %arg6[%add3A_104] : memref<4096xf32, #tpu.memory_space<hbm>> -> memref<128xf32, #tpu.memory_space<hbm>>
        %dma_start3A_112 = arith.constant 0 : i32
        %dma_start3A_113 = tpu.memref_slice %arg11[%run_scoped3A_105, %dma_start3A_112] : memref<2x128xf32, #tpu.memory_space<vmem>> -> memref<1x128xf32, #tpu.memory_space<vmem>>
        %dma_start3A_114 = tpu.memref_squeeze %dma_start3A_113 : memref<1x128xf32, #tpu.memory_space<vmem>> -> memref<128xf32, #tpu.memory_space<vmem>>
        tpu.enqueue_dma source(%dma_start3A_114 : memref<128xf32, #tpu.memory_space<vmem>>) target(%dma_start3A_111 : memref<128xf32, #tpu.memory_space<hbm>>) target_semaphore(%run_scoped3A_106 : memref<!tpu.dma_semaphore, #tpu.memory_space<semaphore_mem>>)
        %dma_wait3A_115 = arith.constant 0 : i32
        %dma_wait3A_116 = tpu.memref_slice %arg11[%run_scoped3A_105, %dma_wait3A_115] : memref<2x128xf32, #tpu.memory_space<vmem>> -> memref<1x128xf32, #tpu.memory_space<vmem>>
        %dma_wait3A_117 = tpu.memref_squeeze %dma_wait3A_116 : memref<1x128xf32, #tpu.memory_space<vmem>> -> memref<128xf32, #tpu.memory_space<vmem>>
        %dma_wait3A_118 = tpu.memref_slice %arg6[%add3A_104] : memref<4096xf32, #tpu.memory_space<hbm>> -> memref<128xf32, #tpu.memory_space<hbm>>
        %dma_wait3A_119 = tpu.memref_slice %arg6[%add3A_104] : memref<4096xf32, #tpu.memory_space<hbm>> -> memref<128xf32, #tpu.memory_space<hbm>>
        %dma_wait3A_120 = arith.constant 0 : i32
        %dma_wait3A_121 = tpu.memref_slice %arg11[%run_scoped3A_105, %dma_wait3A_120] : memref<2x128xf32, #tpu.memory_space<vmem>> -> memref<1x128xf32, #tpu.memory_space<vmem>>
        %dma_wait3A_122 = tpu.memref_squeeze %dma_wait3A_121 : memref<1x128xf32, #tpu.memory_space<vmem>> -> memref<128xf32, #tpu.memory_space<vmem>>
        tpu.wait_dma2 semaphore(%run_scoped3A_106 : memref<!tpu.dma_semaphore, #tpu.memory_space<semaphore_mem>>) src(%dma_wait3A_122 : memref<128xf32, #tpu.memory_space<vmem>>) dst(%dma_wait3A_119 : memref<128xf32, #tpu.memory_space<hbm>>)
        tpu.yield
      }) : () -> ()
    } else {
    }
    %ge3A = arith.constant 16 : i32
    %ge3A_89 = arith.cmpi sge, %add3A, %ge3A : i32
    %convert_element_type3A_90 = arith.extui %ge3A_89 : i1 to i32
    %cond3A_91 = arith.constant 0 : i32
    %cond3A_92 = arith.cmpi ne, %convert_element_type3A_90, %cond3A_91 : i32
    scf.if %cond3A_92 {
      %sub3A = arith.constant 16 : i32
      %sub3A_93 = arith.subi %add3A, %sub3A : i32
      %mul3A_94 = arith.constant 256 : i32
      %mul3A_95 = arith.muli %sub3A_93, %mul3A_94 : i32
      %add3A_96 = arith.constant 0 : i32
      %add3A_97 = arith.addi %mul3A_95, %add3A_96 : i32
      %run_scoped3A = arith.constant 0 : i32
      "tpu.region"() ({
        %run_scoped3A_107 = tpu.sem_alloc : memref<!tpu.dma_semaphore, #tpu.memory_space<semaphore_mem>>
        %dma_start3A_108 = arith.constant 0 : i32
        %dma_start3A_109 = arith.constant 0 : i32
        %dma_start3A_110 = tpu.memref_slice %arg10[%run_scoped3A, %dma_start3A_108, %dma_start3A_109] : memref<2x128x64xf32, #tpu.memory_space<vmem>> -> memref<1x128x64xf32, #tpu.memory_space<vmem>>
        %dma_start3A_111 = tpu.memref_squeeze %dma_start3A_110 : memref<1x128x64xf32, #tpu.memory_space<vmem>> -> memref<128x64xf32, #tpu.memory_space<vmem>>
        %dma_start3A_112 = arith.constant 0 : i32
        %dma_start3A_113 = tpu.memref_slice %arg7[%add3A_97, %dma_start3A_112] : memref<4096x64xf32, #tpu.memory_space<hbm>> -> memref<128x64xf32, #tpu.memory_space<hbm>>
        %dma_start3A_114 = arith.constant 0 : i32
        %dma_start3A_115 = tpu.memref_slice %arg7[%add3A_97, %dma_start3A_114] : memref<4096x64xf32, #tpu.memory_space<hbm>> -> memref<128x64xf32, #tpu.memory_space<hbm>>
        %dma_start3A_116 = arith.constant 0 : i32
        %dma_start3A_117 = arith.constant 0 : i32
        %dma_start3A_118 = tpu.memref_slice %arg10[%run_scoped3A, %dma_start3A_116, %dma_start3A_117] : memref<2x128x64xf32, #tpu.memory_space<vmem>> -> memref<1x128x64xf32, #tpu.memory_space<vmem>>
        %dma_start3A_119 = tpu.memref_squeeze %dma_start3A_118 : memref<1x128x64xf32, #tpu.memory_space<vmem>> -> memref<128x64xf32, #tpu.memory_space<vmem>>
        tpu.enqueue_dma source(%dma_start3A_119 : memref<128x64xf32, #tpu.memory_space<vmem>>) target(%dma_start3A_115 : memref<128x64xf32, #tpu.memory_space<hbm>>) target_semaphore(%run_scoped3A_107 : memref<!tpu.dma_semaphore, #tpu.memory_space<semaphore_mem>>)
        %dma_wait3A_120 = arith.constant 0 : i32
        %dma_wait3A_121 = arith.constant 0 : i32
        %dma_wait3A_122 = tpu.memref_slice %arg10[%run_scoped3A, %dma_wait3A_120, %dma_wait3A_121] : memref<2x128x64xf32, #tpu.memory_space<vmem>> -> memref<1x128x64xf32, #tpu.memory_space<vmem>>
        %dma_wait3A_123 = tpu.memref_squeeze %dma_wait3A_122 : memref<1x128x64xf32, #tpu.memory_space<vmem>> -> memref<128x64xf32, #tpu.memory_space<vmem>>
        %dma_wait3A_124 = arith.constant 0 : i32
        %dma_wait3A_125 = tpu.memref_slice %arg7[%add3A_97, %dma_wait3A_124] : memref<4096x64xf32, #tpu.memory_space<hbm>> -> memref<128x64xf32, #tpu.memory_space<hbm>>
        %dma_wait3A_126 = arith.constant 0 : i32
        %dma_wait3A_127 = tpu.memref_slice %arg7[%add3A_97, %dma_wait3A_126] : memref<4096x64xf32, #tpu.memory_space<hbm>> -> memref<128x64xf32, #tpu.memory_space<hbm>>
        %dma_wait3A_128 = arith.constant 0 : i32
        %dma_wait3A_129 = arith.constant 0 : i32
        %dma_wait3A_130 = tpu.memref_slice %arg10[%run_scoped3A, %dma_wait3A_128, %dma_wait3A_129] : memref<2x128x64xf32, #tpu.memory_space<vmem>> -> memref<1x128x64xf32, #tpu.memory_space<vmem>>
        %dma_wait3A_131 = tpu.memref_squeeze %dma_wait3A_130 : memref<1x128x64xf32, #tpu.memory_space<vmem>> -> memref<128x64xf32, #tpu.memory_space<vmem>>
        tpu.wait_dma2 semaphore(%run_scoped3A_107 : memref<!tpu.dma_semaphore, #tpu.memory_space<semaphore_mem>>) src(%dma_wait3A_131 : memref<128x64xf32, #tpu.memory_space<vmem>>) dst(%dma_wait3A_127 : memref<128x64xf32, #tpu.memory_space<hbm>>)
        tpu.yield
      }) : () -> ()
      %add3A_98 = arith.constant 0 : i32
      %add3A_99 = arith.addi %mul3A_95, %add3A_98 : i32
      %run_scoped3A_100 = arith.constant 0 : i32
      "tpu.region"() ({
        %run_scoped3A_107 = tpu.sem_alloc : memref<!tpu.dma_semaphore, #tpu.memory_space<semaphore_mem>>
        %dma_start3A_108 = arith.constant 0 : i32
        %dma_start3A_109 = tpu.memref_slice %arg11[%run_scoped3A_100, %dma_start3A_108] : memref<2x128xf32, #tpu.memory_space<vmem>> -> memref<1x128xf32, #tpu.memory_space<vmem>>
        %dma_start3A_110 = tpu.memref_squeeze %dma_start3A_109 : memref<1x128xf32, #tpu.memory_space<vmem>> -> memref<128xf32, #tpu.memory_space<vmem>>
        %dma_start3A_111 = tpu.memref_slice %arg8[%add3A_99] : memref<4096xf32, #tpu.memory_space<hbm>> -> memref<128xf32, #tpu.memory_space<hbm>>
        %dma_start3A_112 = tpu.memref_slice %arg8[%add3A_99] : memref<4096xf32, #tpu.memory_space<hbm>> -> memref<128xf32, #tpu.memory_space<hbm>>
        %dma_start3A_113 = arith.constant 0 : i32
        %dma_start3A_114 = tpu.memref_slice %arg11[%run_scoped3A_100, %dma_start3A_113] : memref<2x128xf32, #tpu.memory_space<vmem>> -> memref<1x128xf32, #tpu.memory_space<vmem>>
        %dma_start3A_115 = tpu.memref_squeeze %dma_start3A_114 : memref<1x128xf32, #tpu.memory_space<vmem>> -> memref<128xf32, #tpu.memory_space<vmem>>
        tpu.enqueue_dma source(%dma_start3A_115 : memref<128xf32, #tpu.memory_space<vmem>>) target(%dma_start3A_112 : memref<128xf32, #tpu.memory_space<hbm>>) target_semaphore(%run_scoped3A_107 : memref<!tpu.dma_semaphore, #tpu.memory_space<semaphore_mem>>)
        %dma_wait3A_116 = arith.constant 0 : i32
        %dma_wait3A_117 = tpu.memref_slice %arg11[%run_scoped3A_100, %dma_wait3A_116] : memref<2x128xf32, #tpu.memory_space<vmem>> -> memref<1x128xf32, #tpu.memory_space<vmem>>
        %dma_wait3A_118 = tpu.memref_squeeze %dma_wait3A_117 : memref<1x128xf32, #tpu.memory_space<vmem>> -> memref<128xf32, #tpu.memory_space<vmem>>
        %dma_wait3A_119 = tpu.memref_slice %arg8[%add3A_99] : memref<4096xf32, #tpu.memory_space<hbm>> -> memref<128xf32, #tpu.memory_space<hbm>>
        %dma_wait3A_120 = tpu.memref_slice %arg8[%add3A_99] : memref<4096xf32, #tpu.memory_space<hbm>> -> memref<128xf32, #tpu.memory_space<hbm>>
        %dma_wait3A_121 = arith.constant 0 : i32
        %dma_wait3A_122 = tpu.memref_slice %arg11[%run_scoped3A_100, %dma_wait3A_121] : memref<2x128xf32, #tpu.memory_space<vmem>> -> memref<1x128xf32, #tpu.memory_space<vmem>>
        %dma_wait3A_123 = tpu.memref_squeeze %dma_wait3A_122 : memref<1x128xf32, #tpu.memory_space<vmem>> -> memref<128xf32, #tpu.memory_space<vmem>>
        tpu.wait_dma2 semaphore(%run_scoped3A_107 : memref<!tpu.dma_semaphore, #tpu.memory_space<semaphore_mem>>) src(%dma_wait3A_123 : memref<128xf32, #tpu.memory_space<vmem>>) dst(%dma_wait3A_120 : memref<128xf32, #tpu.memory_space<hbm>>)
        tpu.yield
      }) : () -> ()
      %add3A_101 = arith.constant 128 : i32
      %add3A_102 = arith.addi %mul3A_95, %add3A_101 : i32
      %run_scoped3A_103 = arith.constant 1 : i32
      "tpu.region"() ({
        %run_scoped3A_107 = tpu.sem_alloc : memref<!tpu.dma_semaphore, #tpu.memory_space<semaphore_mem>>
        %dma_start3A_108 = arith.constant 0 : i32
        %dma_start3A_109 = arith.constant 0 : i32
        %dma_start3A_110 = tpu.memref_slice %arg10[%run_scoped3A_103, %dma_start3A_108, %dma_start3A_109] : memref<2x128x64xf32, #tpu.memory_space<vmem>> -> memref<1x128x64xf32, #tpu.memory_space<vmem>>
        %dma_start3A_111 = tpu.memref_squeeze %dma_start3A_110 : memref<1x128x64xf32, #tpu.memory_space<vmem>> -> memref<128x64xf32, #tpu.memory_space<vmem>>
        %dma_start3A_112 = arith.constant 0 : i32
        %dma_start3A_113 = tpu.memref_slice %arg7[%add3A_102, %dma_start3A_112] : memref<4096x64xf32, #tpu.memory_space<hbm>> -> memref<128x64xf32, #tpu.memory_space<hbm>>
        %dma_start3A_114 = arith.constant 0 : i32
        %dma_start3A_115 = tpu.memref_slice %arg7[%add3A_102, %dma_start3A_114] : memref<4096x64xf32, #tpu.memory_space<hbm>> -> memref<128x64xf32, #tpu.memory_space<hbm>>
        %dma_start3A_116 = arith.constant 0 : i32
        %dma_start3A_117 = arith.constant 0 : i32
        %dma_start3A_118 = tpu.memref_slice %arg10[%run_scoped3A_103, %dma_start3A_116, %dma_start3A_117] : memref<2x128x64xf32, #tpu.memory_space<vmem>> -> memref<1x128x64xf32, #tpu.memory_space<vmem>>
        %dma_start3A_119 = tpu.memref_squeeze %dma_start3A_118 : memref<1x128x64xf32, #tpu.memory_space<vmem>> -> memref<128x64xf32, #tpu.memory_space<vmem>>
        tpu.enqueue_dma source(%dma_start3A_119 : memref<128x64xf32, #tpu.memory_space<vmem>>) target(%dma_start3A_115 : memref<128x64xf32, #tpu.memory_space<hbm>>) target_semaphore(%run_scoped3A_107 : memref<!tpu.dma_semaphore, #tpu.memory_space<semaphore_mem>>)
        %dma_wait3A_120 = arith.constant 0 : i32
        %dma_wait3A_121 = arith.constant 0 : i32
        %dma_wait3A_122 = tpu.memref_slice %arg10[%run_scoped3A_103, %dma_wait3A_120, %dma_wait3A_121] : memref<2x128x64xf32, #tpu.memory_space<vmem>> -> memref<1x128x64xf32, #tpu.memory_space<vmem>>
        %dma_wait3A_123 = tpu.memref_squeeze %dma_wait3A_122 : memref<1x128x64xf32, #tpu.memory_space<vmem>> -> memref<128x64xf32, #tpu.memory_space<vmem>>
        %dma_wait3A_124 = arith.constant 0 : i32
        %dma_wait3A_125 = tpu.memref_slice %arg7[%add3A_102, %dma_wait3A_124] : memref<4096x64xf32, #tpu.memory_space<hbm>> -> memref<128x64xf32, #tpu.memory_space<hbm>>
        %dma_wait3A_126 = arith.constant 0 : i32
        %dma_wait3A_127 = tpu.memref_slice %arg7[%add3A_102, %dma_wait3A_126] : memref<4096x64xf32, #tpu.memory_space<hbm>> -> memref<128x64xf32, #tpu.memory_space<hbm>>
        %dma_wait3A_128 = arith.constant 0 : i32
        %dma_wait3A_129 = arith.constant 0 : i32
        %dma_wait3A_130 = tpu.memref_slice %arg10[%run_scoped3A_103, %dma_wait3A_128, %dma_wait3A_129] : memref<2x128x64xf32, #tpu.memory_space<vmem>> -> memref<1x128x64xf32, #tpu.memory_space<vmem>>
        %dma_wait3A_131 = tpu.memref_squeeze %dma_wait3A_130 : memref<1x128x64xf32, #tpu.memory_space<vmem>> -> memref<128x64xf32, #tpu.memory_space<vmem>>
        tpu.wait_dma2 semaphore(%run_scoped3A_107 : memref<!tpu.dma_semaphore, #tpu.memory_space<semaphore_mem>>) src(%dma_wait3A_131 : memref<128x64xf32, #tpu.memory_space<vmem>>) dst(%dma_wait3A_127 : memref<128x64xf32, #tpu.memory_space<hbm>>)
        tpu.yield
      }) : () -> ()
      %add3A_104 = arith.constant 128 : i32
      %add3A_105 = arith.addi %mul3A_95, %add3A_104 : i32
      %run_scoped3A_106 = arith.constant 1 : i32
      "tpu.region"() ({
        %run_scoped3A_107 = tpu.sem_alloc : memref<!tpu.dma_semaphore, #tpu.memory_space<semaphore_mem>>
        %dma_start3A_108 = arith.constant 0 : i32
        %dma_start3A_109 = tpu.memref_slice %arg11[%run_scoped3A_106, %dma_start3A_108] : memref<2x128xf32, #tpu.memory_space<vmem>> -> memref<1x128xf32, #tpu.memory_space<vmem>>
        %dma_start3A_110 = tpu.memref_squeeze %dma_start3A_109 : memref<1x128xf32, #tpu.memory_space<vmem>> -> memref<128xf32, #tpu.memory_space<vmem>>
        %dma_start3A_111 = tpu.memref_slice %arg8[%add3A_105] : memref<4096xf32, #tpu.memory_space<hbm>> -> memref<128xf32, #tpu.memory_space<hbm>>
        %dma_start3A_112 = tpu.memref_slice %arg8[%add3A_105] : memref<4096xf32, #tpu.memory_space<hbm>> -> memref<128xf32, #tpu.memory_space<hbm>>
        %dma_start3A_113 = arith.constant 0 : i32
        %dma_start3A_114 = tpu.memref_slice %arg11[%run_scoped3A_106, %dma_start3A_113] : memref<2x128xf32, #tpu.memory_space<vmem>> -> memref<1x128xf32, #tpu.memory_space<vmem>>
        %dma_start3A_115 = tpu.memref_squeeze %dma_start3A_114 : memref<1x128xf32, #tpu.memory_space<vmem>> -> memref<128xf32, #tpu.memory_space<vmem>>
        tpu.enqueue_dma source(%dma_start3A_115 : memref<128xf32, #tpu.memory_space<vmem>>) target(%dma_start3A_112 : memref<128xf32, #tpu.memory_space<hbm>>) target_semaphore(%run_scoped3A_107 : memref<!tpu.dma_semaphore, #tpu.memory_space<semaphore_mem>>)
        %dma_wait3A_116 = arith.constant 0 : i32
        %dma_wait3A_117 = tpu.memref_slice %arg11[%run_scoped3A_106, %dma_wait3A_116] : memref<2x128xf32, #tpu.memory_space<vmem>> -> memref<1x128xf32, #tpu.memory_space<vmem>>
        %dma_wait3A_118 = tpu.memref_squeeze %dma_wait3A_117 : memref<1x128xf32, #tpu.memory_space<vmem>> -> memref<128xf32, #tpu.memory_space<vmem>>
        %dma_wait3A_119 = tpu.memref_slice %arg8[%add3A_105] : memref<4096xf32, #tpu.memory_space<hbm>> -> memref<128xf32, #tpu.memory_space<hbm>>
        %dma_wait3A_120 = tpu.memref_slice %arg8[%add3A_105] : memref<4096xf32, #tpu.memory_space<hbm>> -> memref<128xf32, #tpu.memory_space<hbm>>
        %dma_wait3A_121 = arith.constant 0 : i32
        %dma_wait3A_122 = tpu.memref_slice %arg11[%run_scoped3A_106, %dma_wait3A_121] : memref<2x128xf32, #tpu.memory_space<vmem>> -> memref<1x128xf32, #tpu.memory_space<vmem>>
        %dma_wait3A_123 = tpu.memref_squeeze %dma_wait3A_122 : memref<1x128xf32, #tpu.memory_space<vmem>> -> memref<128xf32, #tpu.memory_space<vmem>>
        tpu.wait_dma2 semaphore(%run_scoped3A_107 : memref<!tpu.dma_semaphore, #tpu.memory_space<semaphore_mem>>) src(%dma_wait3A_123 : memref<128xf32, #tpu.memory_space<vmem>>) dst(%dma_wait3A_120 : memref<128xf32, #tpu.memory_space<hbm>>)
        tpu.yield
      }) : () -> ()
    } else {
    }
    return
  }
}

</mosaic_0001>

<sc_bundles>
// kernel: _sc_gather.3.cloned.1.call-start
scs
__scs_entry_jumppad:
0x0: {  	(pc) =	sbr.rel $0x88, $3  }
0x1: {  	(tag) =	ssettag $0x0;
	lr =	simm.s32 $0x1  }
0x2: {  	[smem:$0x3F9E] =	sst lr;
	_ =	strace $0xD0000000  }
0x3: {  	_ = 	snop  }
0x4: {  	_ = 	snop  }
0x5: {  	_ = 	snop  }
0x6: {  	_ = 	snop  }
0x7: {  	_ = 	snop  }
__scs_overlays_trampoline_lowered:
0x8: {  	[smem:$0x3FAD] =	sst s0  }
0x9: {  	[smem:$0x3FAE] =	sst s1  }
0xa: {  	[smem:$0x3FAF] =	sst s2  }
0xb: {  	[smem:$0x3FB0] =	sst s3  }
0xc: {  	[smem:$0x3FB1] =	sst s4  }
0xd: {  	[smem:$0x3FB2] =	sst s5  }
0xe: {  	[smem:$0x3FB3] =	sst s6  }
0xf: {  	[smem:$0x3FB4] =	sst s7  }
0x10: {  	[smem:$0x3FB5] =	sst s8  }
0x11: {  	[smem:$0x3FB6] =	sst s9;
	s0 =	simm.s32 @!p0 $0x0  }
0x12: {  	s1 =	sld [smem:$0x3F9C];
	s0 =	simm.s32 @p0 $0x1  }
0x13: {  	[smem:$0x3FB7] =	sst s0;
	s0 =	simm.s32 @!p1 $0x0  }
0x14: {  	s2 =	sld [smem:$0x3F9B];
	s0 =	simm.s32 @p1 $0x1  }
0x15: {  	[smem:$0x3FB8] =	sst s0;
	s0 =	simm.s32 @!p2 $0x0  }
0x16: {  	s3 =	sld [smem:$0x3FDB];
	s0 =	simm.s32 @p2 $0x1  }
0x17: {  	s4 =	simm.s32 $0x1BF5;
	[smem:$0x3FBA] =	sst s0  }
0x18: {  	s0 =	sld [smem:$0x3F9D];
	_ =	swait.ge [sflag:s4], $0x0  }
0x19: {  	s7 =	sld [smem:$0x3F9E]  }
0x1a: {  	s8 =	sadd.s32 $0xFFFFE003, lr  }
0x1b: {  	s9 =	sadd.s32 $0xFFFFFEF7, lr;
	s5 =	simm.s32 $0xFFFFFFFF;
	p2 =	slt.u32 s8, $0xFFFFF086  }
0x1c: {  	p1 =	slt.u32 s9, $0xF7A;
	s5 =	simm.s32 @!p2 $0x0  }
0x1d: {  	s5 =	simm.s32 @p1 $0x1;
	p0 =	seq.s32 s7, s2  }
0x1e: {  	s7 =	smul.u32 @!p0 $0xF7A, s2;
	p2 =	seq.s32 @!p0 s5, $0x0  }
0x1f: {  	s9 =	smul.u32 $0xF7A, s1;
	s8 =	simm.s32 @!p0 $0x1BF5;
	p2 =	por !p2, p0  }
0x20: {  	[sflag:s8] =	ssyncset.s32 @!p0 $0xFFFFF086;
	s6 =	sadd.s32 @!p0 s3, s7;
	s7 =	simm.s32 @!p0 $0x108  }
0x21: {  	s3 =	sadd.s32 s3, s9;
	s6 =	sadd.s32 @!p0 $0x88, s6;
	s7 =	simm.s32 @p2 $0x1082  }
0x22: {  	[simem:s7], [sflag:s8] =	dma.local @!p0 [hbm:s6], $0xF7A  }
0x23: {  	s9 =	sor.u32 $0xD0000000, s2;
	s6 =	simm.s32 $0x108;
	_ =	swait.ge @!p0 [sflag:s8], $0x0  }
0x24: {  	s3 =	sadd.s32 $0x88, s3;
	s6 =	simm.s32 @!p1 $0x1082;
	[sflag:s4] =	ssyncset.s32 $0xFFFFF086  }
0x25: {  	[simem:s6], [sflag:s4] =	dma.local [hbm:s3], $0xF7A  }
0x26: {  	[smem:$0x3F9E] =	sst s1;
	(tag) =	ssettag s2;
	_ =	strace s9  }
0x27: {  	s1 =	sld [smem:$0x3FAE]  }
0x28: {  	s2 =	sld [smem:$0x3FAF]  }
0x29: {  	s4 =	sld [smem:$0x3FB1]  }
0x2a: {  	p0 =	seq.s32 s5, $0x0;
	s5 =	sld [smem:$0x3FB2]  }
0x2b: {  	s6 =	sld [smem:$0x3FB3]  }
0x2c: {  	s7 =	sld [smem:$0x3FB4]  }
0x2d: {  	s3 =	simm.s32 $0x108;
	s8 =	sld [smem:$0x3FB5]  }
0x2e: {  	s3 =	simm.s32 @!p0 $0x1082;
	s9 =	sld [smem:$0x3FB6]  }
0x2f: {  	lr =	sadd.s32 s0, s3;
	s0 =	sld [smem:$0x3FAD]  }
0x30: {  	s3 =	sld [smem:$0x3FB0]  }
0x31: {  	[smem:$0x3FB9] =	sst s10  }
0x32: {  	s10 =	sld [smem:$0x3FB7];
	_ =	sdelay $0x3  }
0x33: {  	p0 =	seq.s32 s10, $0x1;
	s10 =	sld [smem:$0x3FB9];
	_ =	sdelay $0x3  }
0x34: {  	[smem:$0x3FB9] =	sst s10  }
0x35: {  	s10 =	sld [smem:$0x3FB8];
	_ =	sdelay $0x3  }
0x36: {  	p1 =	seq.s32 s10, $0x1;
	s10 =	sld [smem:$0x3FB9];
	_ =	sdelay $0x3  }
0x37: {  	[smem:$0x3FB9] =	sst s10  }
0x38: {  	s10 =	sld [smem:$0x3FBA]  }
0x39: {  	_ = 	snop;
	(pc) =	sbr.ind lr, $3  }
0x3a: {  	_ = 	snop  }
0x3b: {  	_ = 	snop  }
0x3c: {  	p2 =	seq.s32 s10, $0x1;
	s10 =	sld [smem:$0x3FB9]  }
0x3d: {  	_ =	shalt  }
0x3e: {  	_ =	shalt  }
0x3f: {  	_ =	shalt  }
0x40: {  	_ =	shalt  }
0x41: {  	_ =	shalt  }
0x42: {  	_ =	shalt  }
0x43: {  	_ =	shalt  }
0x44: {  	_ =	shalt  }
0x45: {  	_ =	shalt  }
0x46: {  	_ =	shalt  }
0x47: {  	_ =	shalt  }
0x48: {  	_ =	shalt  }
0x49: {  	_ =	shalt  }
0x4a: {  	_ =	shalt  }
0x4b: {  	_ =	shalt  }
0x4c: {  	_ =	shalt  }
0x4d: {  	_ =	shalt  }
0x4e: {  	_ =	shalt  }
0x4f: {  	_ =	shalt  }
0x50: {  	_ =	shalt  }
0x51: {  	_ =	shalt  }
0x52: {  	_ =	shalt  }
0x53: {  	_ =	shalt  }
0x54: {  	_ =	shalt  }
0x55: {  	_ =	shalt  }
0x56: {  	_ =	shalt  }
0x57: {  	_ =	shalt  }
0x58: {  	_ =	shalt  }
0x59: {  	_ =	shalt  }
0x5a: {  	_ =	shalt  }
0x5b: {  	_ =	shalt  }
0x5c: {  	_ =	shalt  }
0x5d: {  	_ =	shalt  }
0x5e: {  	_ =	shalt  }
0x5f: {  	_ =	shalt  }
0x60: {  	_ =	shalt  }
0x61: {  	_ =	shalt  }
0x62: {  	_ =	shalt  }
0x63: {  	_ =	shalt  }
0x64: {  	_ =	shalt  }
0x65: {  	_ =	shalt  }
0x66: {  	_ =	shalt  }
0x67: {  	_ =	shalt  }
0x68: {  	_ =	shalt  }
0x69: {  	_ =	shalt  }
0x6a: {  	_ =	shalt  }
0x6b: {  	_ =	shalt  }
0x6c: {  	_ =	shalt  }
0x6d: {  	_ =	shalt  }
0x6e: {  	_ =	shalt  }
0x6f: {  	_ =	shalt  }
0x70: {  	_ =	shalt  }
0x71: {  	_ =	shalt  }
0x72: {  	_ =	shalt  }
0x73: {  	_ =	shalt  }
0x74: {  	_ =	shalt  }
0x75: {  	_ =	shalt  }
0x76: {  	_ =	shalt  }
0x77: {  	_ =	shalt  }
0x78: {  	_ =	shalt  }
0x79: {  	_ =	shalt  }
0x7a: {  	_ =	shalt  }
0x7b: {  	_ =	shalt  }
0x7c: {  	_ =	shalt  }
0x7d: {  	_ =	shalt  }
0x7e: {  	_ =	shalt  }
0x7f: {  	_ =	shalt  }
0x80: {  	_ =	shalt  }
0x81: {  	_ =	shalt  }
0x82: {  	_ =	shalt  }
0x83: {  	_ =	shalt  }
0x84: {  	_ =	shalt  }
0x85: {  	_ =	shalt  }
0x86: {  	_ =	shalt  }
0x87: {  	_ =	shalt  }
.Lfunc_end0:
.L_simem_size_0:
called_computation_lowered:
.L_overlay_start_0:
0x88: {  	s2 =	sld [smem:$0x3FD9]  }
0x89: {  	s3 =	sld [smem:$0x3FFE];
	_ =	sdelay $0x1  }
0x8a: {  	s1 =	srdreg.scid  }
0x8b: {  	s0 =	sand.u32 $0x1, s1  }
0x8c: {  	s14 =	sshll.u32 s0, $0xA;
	s2 =	sadd.s32 s3, s2  }
0x8d: {  	s2 =	sadd.s32 s2, s14  }
0x8e: {  	[smem:$0x3FC5] =	sst s2  }
0x8f: {  	_ = 	snop  }
0x90: {  	s2 =	sld [smem:$0x3FD0];
	_ =	sdelay $0x1  }
0x91: {  	s15 =	sld [smem:$0x3FC9]  }
0x92: {  	s5 =	simm.s32 $0xA;
	s6 =	simm.s32 $0x10;
	s4 =	sld [smem:$0x3FC7]  }
0x93: {  	[smem:s6], [sflag:s5] =	dma.local [hbm:s2], $0x1  }
0x94: {  	_ =	swait.eq [sflag:s5], $0x1  }
0x95: {  	s16 =	sld [smem:$0x11];
	[sflag:s5] =	ssyncset.done $0x0  }
0x96: {  	s17 =	sld [smem:$0x12];
	[sflag:s5] =	ssyncadd.s32 $0xFFFFFFFF  }
0x97: {  	s18 =	sld [smem:$0x13];
	(tm) =	ssettm $0x1  }
0x98: {  	s7 =	sld [smem:$0x3FFB];
	_ =	sdelay $0x3  }
0x99: {  	_ =	strace s7  }
0x9a: {  	s7 =	sld [smem:$0x3FFC];
	_ =	sdelay $0x3  }
0x9b: {  	_ =	strace s7  }
0x9c: {  	s7 =	sld [smem:$0x3FFD];
	_ =	sdelay $0x3  }
0x9d: {  	_ =	strace s7  }
0x9e: {  	_ =	strace $0x8FFFFFFF  }
0x9f: {  	s19 =	sld [smem:$0x3FDB];
	_ =	sdelay $0x1  }
0xa0: {  	s8 =	simm.s32 $_scs_section_size  }
0xa1: {  	s9 =	simm.s32 $_size__tile_overlayer_lowered;
	s10 =	simm.s32 $_tile_overlayer_lowered  }
0xa2: {  	s22 =	simm.s32 $0x1BFF;
	s21 =	sshll.u32 s10, $0x1;
	s7 =	sadd.s32 s8, s19  }
0xa3: {  	s11 =	simm.s32 $0x0;
	s20 =	sshll.u32 s9, $0x1;
	s9 =	sadd.s32 s21, s7  }
0xa4: {  	[timem:s11], [sflag:s22] =	dma.local [hbm:s9], s20  }
0xa5: {  	_ =	swait.ge [sflag:s22], s20  }
0xa6: {  	s8 =	ssub.s32 $0x0, s20;
	[sflag:s22] =	ssyncset.done $0x0  }
0xa7: {  	[sflag:s22] =	ssyncadd.s32 s8;
	_ =	sdelay $0x1  }
0xa8: {  	s23 =	simm.s32 $0x1B8B  }
0xa9: {  	_ =	swait.ge [sflag:s23], $0x1  }
0xaa: {  	[sflag:s23] =	ssyncset.done $0x0  }
0xab: {  	s25 =	simm.s32 $0x1B8E;
	s24 =	sld [smem:$0x3FFE];
	[sflag:s23] =	ssyncadd.s32 $0xFFFFFFFF  }
0xac: {  	s26 =	simm.s32 $execute0_lowered;
	[smem:$0x3FD2] =	sst s25  }
0xad: {  	s9 =	sshll.u32 s26, $0x1;
	_ =	strace $0x80000046;
	[dreg:$0x1] =	wrdreg $0xFFFFFFFF  }
0xae: {  	s28 =	simm.s32 $_size_execute0_lowered;
	s7 =	sadd.s32 s7, s9;
	[dreg:$0x0] =	wrdreg $0x0  }
0xaf: {  	s9 =	sshll.u32 s28, $0x1;
	[dreg:$0x2] =	wrdreg s7  }
0xb0: {  	[dreg:$0x3] =	wrdreg s9  }
0xb1: {  	[dreg:$0x4] =	wrdreg $0xC0  }
0xb2: {  	_ =	task [dreg:s11], $0x5FFFF  }
0xb3: {  	[dreg:$0x1] =	wrdreg $0xFFFFFFFF  }
0xb4: {  	[dreg:$0x0] =	wrdreg $0x60  }
0xb5: {  	[dreg:$0x2] =	wrdreg s15  }
0xb6: {  	[dreg:$0x3] =	wrdreg s24  }
0xb7: {  	[dreg:$0x4] =	wrdreg s4  }
0xb8: {  	[dreg:$0x5] =	wrdreg s17  }
0xb9: {  	[dreg:$0x6] =	wrdreg s16  }
0xba: {  	[dreg:$0x7] =	wrdreg s18  }
0xbb: {  	[dreg:$0x8] =	wrdreg $0x9  }
0xbc: {  	_ =	task.clear_ibuf [dreg:s11], $0x9FFFF;
	_ =	strace $0x90000046  }
0xbd: {  	s29 =	simm.s32 $0x9;
	_ =	strace $0x80000048  }
0xbe: {  	_ =	swait.ge [sflag:s29], $0x1  }
0xbf: {  	[sflag:s29] =	ssyncadd.s32 $0xFFFFFFFF  }
0xc0: {  	_ =	strace $0x90000048  }
0xc1: {  	_ =	sfence  }
0xc2: {  	s30 =	sld [smem:$0x0];
	_ =	sdelay $0x2  }
0xc3: {  	s31 =	sshll.u32 s1, $0xD;
	s1 =	sshrl.u32 s1, $0x2  }
0xc4: {  	s3 =	sand.u32 $0x4000, s31;
	s1 =	sadd.s32 s1, s30  }
0xc5: {  	s0 =	sor.u32 s3, s0;
	s1 =	sshll.u32 s1, $0x11  }
0xc6: {  	s0 =	sor.u32 s1, s0  }
0xc7: {  	s0 =	sadd.s32 $0x8F2B, s0  }
0xc8: {  	[sflag:s0] =	ssyncadd.remote.s32 $0x1  }
0xc9: {  	_ =	sfence.sel $0xFFFF  }
0xca: {  	[dreg:$0x0] =	wrdreg $0xFFFFFFFF;
	(pc) =	sbr.abs _section_cstart, $3  }
0xcb: {  	[dreg:$0x1] =	wrdreg $0xFFFFFFFF  }
0xcc: {  	_ =	task.clear_ibuf [dreg:s11], $0x2FFFF;
	_ =	strace $0x9FFFFFFF  }
0xcd: {  	(tm) =	ssettm $0x7FFFFFFF  }
tec
execute0_lowered:
.L_overlay_start_1:
0x0: {  	(tag) =	ssettag $0x1  }
0x1: {  	s4 =	rddreg [dreg:$0x0]  }
0x2: {  	s13 =	rddreg [dreg:$0x1]  }
0x3: {  	s1 =	rddreg [dreg:$0x2]  }
0x4: {  	s18 =	rddreg [dreg:$0x3]  }
0x5: {  	s17 =	rddreg [dreg:$0x4]  }
0x6: {  	s2 =	srdreg.scid;
	s0 =	stileid.u32  }
0x7: {  	s16 =	rddreg [dreg:$0x5];
	s14 =	sand.u32 $0x1, s2;
	s5 =	sshll.u32 s0, $0x1  }
0x8: {  	s3 =	simm.s32 $0x0;
	s2 =	rddreg [dreg:$0x6];
	s15 =	sor.u32 s14, s5  }
0x9: {  	[smem:$0x7FF] =	sst s3;
	s19 =	sshll.u32 s15, $0x5  }
0xa: {  	_ =	strace $0x80000047;
	s5 =	sadd.s32 s4, s19;
	s4 =	simm.s32 $0x2  }
0xb: {  	[tilespmem:s3], [sflag:$0x2] =	stream.linear.gather [hbm4b:s5+s3], $0x100, $0x38;
	[tilespmem:$0x4200] =	vst v63  }
0xc: {  	_ =	swait.ge [sflag:s4], $0x100  }
0xd: {  	s7 =	simm.s32 $0x80;
	[sflag:s4] =	ssyncset.done $0x0  }
0xe: {  	s8 =	simm.s32 $0x100;
	s6 =	sadd.s32 $0x187200, s13;
	[sflag:s4] =	ssyncadd.s32 $0xFFFFFF00  }
0xf: {  	[tilespmem:s8], [sflag:$0x1] =	stream.indirect.gather [hbm4b:s6+s7], $0x40, s3, s7, $0xb8;
	[tilespmem:$0x4200] =	vst v63  }
0x10: {  	s9 =	simm.s32 $0x4100  }
0x11: {  	[tilespmem:s9], [sflag:$0x1] =	stream.indirect.gather [hbm4b:s1+s7], $0x1, s3, s7, $0xb8;
	[tilespmem:$0x4200] =	vst v63  }
0x12: {  	s10 =	simm.s32 $0x2100  }
0x13: {  	[tilespmem:s10], [sflag:$0x1] =	stream.indirect.gather [hbm4b:s6+s7], $0x40, s7, s7, $0xb8;
	[tilespmem:$0x4200] =	vst v63  }
0x14: {  	s11 =	simm.s32 $0x4180;
	s12 =	simm.s32 $0x1  }
0x15: {  	[tilespmem:s11], [sflag:$0x1] =	stream.indirect.gather [hbm4b:s1+s7], $0x1, s7, s7, $0xb8;
	[tilespmem:$0x4200] =	vst v63  }
0x16: {  	_ =	swait.ge [sflag:s12], $0x2000  }
0x17: {  	[sflag:s12] =	ssyncset.done $0x0  }
0x18: {  	[sflag:s12] =	ssyncadd.s32 $0xFFFFE000  }
0x19: {  	s21 =	sadd.s32 $0x800, s13;
	p0 =	slt.u32 s0, $0x8;
	_ =	swait.ge [sflag:s12], $0x80  }
0x1a: {  	s23 =	ssub.s32 $0x2, s14;
	s20 =	sshll.u32 s15, $0x8;
	[sflag:s12] =	ssyncset.done $0x0  }
0x1b: {  	s15 =	sshll.u32 s15, $0xB;
	s29 =	sshrl.u32 s23, $0x1;
	[sflag:s12] =	ssyncadd.s32 $0xFFFFFF80  }
0x1c: {  	s22 =	sadd.s32 $0xFFFFF000, s20;
	s25 =	sadd.s32 $0xFFFFF080, s20;
	_ =	swait.ge [sflag:s12], $0x2000  }
0x1d: {  	s28 =	sor.u32 $0x80, s20;
	s14 =	sshll.u32 s22, $0x3;
	[sflag:s12] =	ssyncset.done $0x0  }
0x1e: {  	s24 =	sshrl.u32 s22, $0x3;
	s22 =	sadd.s32 s18, s15;
	[sflag:s12] =	ssyncadd.s32 $0xFFFFE000  }
0x1f: {  	s15 =	sadd.s32 s17, s19;
	s13 =	sand.u32 $0x1FFFF800, s14;
	_ =	swait.ge [sflag:s12], $0x80  }
0x20: {  	s26 =	sshll.u32 s25, $0x3;
	s13 =	sadd.s32 s21, s13;
	[sflag:s12] =	ssyncset.done $0x0  }
0x21: {  	s20 =	sshll.u32 s28, $0x3;
	s13 =	smov.u32 @p0 s22;
	[sflag:s12] =	ssyncadd.s32 $0xFFFFFF80  }
0x22: {  	[hbm4b:s13+s3] =	stream.linear.scatter [tilespmem:s8], [sflag:$0x2], $0x2000, $0x38;
	[tilespmem:$0x4200] =	vst v63  }
0x23: {  	s30 =	sshrl.u32 s25, $0x3;
	s19 =	sshrl.u32 s28, $0x3;
	_ =	swait.ge [sflag:s4], $0x2000  }
0x24: {  	s14 =	sadd.s32 s16, s24;
	s18 =	sadd.s32 s18, s20;
	[sflag:s4] =	ssyncset.done $0x0  }
0x25: {  	s20 =	ssub.s32 s23, s29;
	s14 =	smov.u32 @p0 s15;
	[sflag:s4] =	ssyncadd.s32 $0xFFFFE000  }
0x26: {  	[hbm4b:s14+s3] =	stream.linear.scatter [tilespmem:s9], [sflag:$0x2], $0x80, $0x38;
	[tilespmem:$0x4200] =	vst v63  }
0x27: {  	s16 =	sadd.s32 s16, s30;
	s15 =	sand.u32 $0x1FFFFC00, s26;
	_ =	swait.ge [sflag:s4], $0x80  }
0x28: {  	s17 =	sadd.s32 s17, s19;
	s15 =	sadd.s32 s21, s15;
	[sflag:s4] =	ssyncset.done $0x0  }
0x29: {  	s31 =	smax.u32 s20, $0x1;
	s15 =	smov.u32 @p0 s18;
	[sflag:s4] =	ssyncadd.s32 $0xFFFFFF80  }
0x2a: {  	[hbm4b:s15+s3] =	stream.linear.scatter [tilespmem:s10], [sflag:$0x2], $0x2000, $0x38;
	[tilespmem:$0x4200] =	vst v63  }
0x2b: {  	s16 =	smov.u32 @p0 s17;
	p0 =	sne.s32 s31, $0x1;
	_ =	swait.ge [sflag:s4], $0x2000  }
.Ltmp0:
0x2c: {  	[sflag:s4] =	ssyncset.done $0x0;
	(pc) =	sbr.rel @!p0 .LBB2_2-.Ltmp0, $4  }
0x2d: {  	[sflag:s4] =	ssyncadd.s32 $0xFFFFE000  }
0x2e: {  	[hbm4b:s16+s3] =	stream.linear.scatter [tilespmem:s11], [sflag:$0x2], $0x80, $0x38;
	[tilespmem:$0x4200] =	vst v63  }
0x2f: {  	_ =	swait.ge [sflag:s4], $0x80  }
0x30: {  	s17 =	sadd.s32 $0xFFFFFFFF, s31;
	[sflag:s4] =	ssyncset.done $0x0  }
.LBB2_1:
0x31: {  	p0 =	sne.s32 s17, $0x1;
	s17 =	sadd.s32 $0xFFFFFFFF, s17;
	[sflag:s4] =	ssyncadd.s32 $0xFFFFFF80  }
0x32: {  	[tilespmem:s3], [sflag:$0x2] =	stream.linear.gather [hbm4b:s5+s3], $0x100, $0x38;
	[tilespmem:$0x4200] =	vst v63  }
0x33: {  	_ =	swait.ge [sflag:s4], $0x100  }
0x34: {  	[sflag:s4] =	ssyncset.done $0x0  }
0x35: {  	[sflag:s4] =	ssyncadd.s32 $0xFFFFFF00  }
0x36: {  	[tilespmem:s8], [sflag:$0x1] =	stream.indirect.gather [hbm4b:s6+s7], $0x40, s3, s7, $0xb8;
	[tilespmem:$0x4200] =	vst v63  }
0x37: {  	_ = 	snop  }
0x38: {  	[tilespmem:s9], [sflag:$0x1] =	stream.indirect.gather [hbm4b:s1+s7], $0x1, s3, s7, $0xb8;
	[tilespmem:$0x4200] =	vst v63  }
0x39: {  	_ = 	snop  }
0x3a: {  	[tilespmem:s10], [sflag:$0x1] =	stream.indirect.gather [hbm4b:s6+s7], $0x40, s7, s7, $0xb8;
	[tilespmem:$0x4200] =	vst v63  }
0x3b: {  	_ = 	snop  }
0x3c: {  	[tilespmem:s11], [sflag:$0x1] =	stream.indirect.gather [hbm4b:s1+s7], $0x1, s7, s7, $0xb8;
	[tilespmem:$0x4200] =	vst v63  }
0x3d: {  	_ =	swait.ge [sflag:s12], $0x2000  }
0x3e: {  	[sflag:s12] =	ssyncset.done $0x0  }
0x3f: {  	[sflag:s12] =	ssyncadd.s32 $0xFFFFE000  }
0x40: {  	_ =	swait.ge [sflag:s12], $0x80  }
0x41: {  	[sflag:s12] =	ssyncset.done $0x0  }
0x42: {  	[sflag:s12] =	ssyncadd.s32 $0xFFFFFF80  }
0x43: {  	_ =	swait.ge [sflag:s12], $0x2000  }
0x44: {  	[sflag:s12] =	ssyncset.done $0x0  }
0x45: {  	[sflag:s12] =	ssyncadd.s32 $0xFFFFE000  }
0x46: {  	_ =	swait.ge [sflag:s12], $0x80  }
0x47: {  	[sflag:s12] =	ssyncset.done $0x0  }
0x48: {  	[sflag:s12] =	ssyncadd.s32 $0xFFFFFF80  }
0x49: {  	[hbm4b:s13+s3] =	stream.linear.scatter [tilespmem:s8], [sflag:$0x2], $0x2000, $0x38;
	[tilespmem:$0x4200] =	vst v63  }
0x4a: {  	_ =	swait.ge [sflag:s4], $0x2000  }
0x4b: {  	[sflag:s4] =	ssyncset.done $0x0  }
0x4c: {  	[sflag:s4] =	ssyncadd.s32 $0xFFFFE000  }
0x4d: {  	[hbm4b:s14+s3] =	stream.linear.scatter [tilespmem:s9], [sflag:$0x2], $0x80, $0x38;
	[tilespmem:$0x4200] =	vst v63  }
0x4e: {  	_ =	swait.ge [sflag:s4], $0x80  }
0x4f: {  	[sflag:s4] =	ssyncset.done $0x0  }
0x50: {  	[sflag:s4] =	ssyncadd.s32 $0xFFFFFF80  }
0x51: {  	[hbm4b:s15+s3] =	stream.linear.scatter [tilespmem:s10], [sflag:$0x2], $0x2000, $0x38;
	[tilespmem:$0x4200] =	vst v63  }
0x52: {  	_ =	swait.ge [sflag:s4], $0x2000  }
.Ltmp1:
0x53: {  	[sflag:s4] =	ssyncset.done $0x0;
	(pc) =	sbr.rel @p0 .LBB2_1-.Ltmp1, $4  }
0x54: {  	[sflag:s4] =	ssyncadd.s32 $0xFFFFE000  }
0x55: {  	[hbm4b:s16+s3] =	stream.linear.scatter [tilespmem:s11], [sflag:$0x2], $0x80, $0x38;
	[tilespmem:$0x4200] =	vst v63  }
0x56: {  	_ =	swait.ge [sflag:s4], $0x80  }
0x57: {  	[sflag:s4] =	ssyncset.done $0x0  }
.LBB2_2:
0x58: {  	[sflag:s4] =	ssyncadd.s32 $0xFFFFFF80  }
0x59: {  	_ =	sfence.sel $0x180000  }
0x5a: {  	[bflag:$0x0] =	sbarrier.arrive $0xFFFF  }
0x5b: {  	p0 =	sne.s32 s0, $0x0;
	_ =	strace $0x90000047  }
0x5c: {  	s0 =	sadd.s32 @!p0 $0x100000, s2;
	[bflag:$0x2] =	sbarrier.arrive $0xFFFF  }
0x5d: {  	[sflag:s0] =	ssyncadd.tile.s32 @!p0 $0x1;
	_ =	shalt  }
.Lfunc_end2:
_tile_overlayer_lowered:
.L_overlay_start_2:
0x5e: {  	(tag) =	ssettag $0x2  }
0x5f: {  	s0 =	rddreg [dreg:$0x0];
	s2 =	stileid.u32  }
0x60: {  	s1 =	rddreg [dreg:$0x1];
	p0 =	sne.s32 s2, $0x0  }
0x61: {  	s3 =	rddreg [dreg:$0x2];
	[bflag:$0x3] =	sbarrier.arrive $0xFFFF;
	s2 =	simm.s32 @!p0 $0x1C02  }
0x62: {  	[timem:s3], [sflag:s2] =	dma.local @!p0 [hbm:s0], s1  }
0x63: {  	s0 =	simm.s32 @!p0 $0x2  }
0x64: {  	_ =	swait.ge @!p0 [sflag:s0], s1  }
0x65: {  	s1 =	ssub.s32 @!p0 $0x0, s1;
	[sflag:s0] =	ssyncset.done @!p0 $0x0  }
0x66: {  	[sflag:s0] =	ssyncadd.s32 @!p0 s1  }
0x67: {  	[bflag:$0x3] =	sbarrier.arrive $0xFFFF  }
0x68: {  	_ =	shalt  }

</sc_bundles>
